<compile_context>
chip_gen: v7x
topology: tpu7x:2x2x1
jax: 0.10.2.dev20260603
libtpu: 0.0.44.dev20260713+nightly
codegen_flags: <defaults>
</compile_context>

<pallas_src>
import jax
import jax.numpy as jnp
from jax import lax
from jax.experimental import pallas as pl
from jax.experimental.pallas import tpu as pltpu
from jax.experimental.pallas import tpu_sc as plsc

N_FIELDS = 26
BATCH = 16384
VOCAB = 100000
EMBED_DIM = 32

_INFO = plsc.get_sparse_core_info()
NC, NS, L = _INFO.num_cores, _INFO.num_subcores, _INFO.num_lanes
NW = NC * NS


def _sc_body(tables_tr, xidx3, out_t, vec, orow, ichunk):
    wid = lax.axis_index("s") * NC + lax.axis_index("c")

    def field_step(f, carry):
        pltpu.sync_copy(tables_tr.at[f, wid], vec)
        for h in range(2):
            pltpu.sync_copy(xidx3.at[f, pl.ds(h * 64, 64)], ichunk)

            def body(k, c):
                for j in range(8):
                    iv = ichunk[k, pl.ds(j * L, L)]
                    vals = plsc.load_gather(vec, [iv])
                    orow[pl.ds(h * 8192 + k * 128 + j * L, L)] = vals
                return c

            lax.fori_loop(0, 64, body, 0)
        pltpu.sync_copy(orow, out_t.at[f * EMBED_DIM + wid])
        return carry

    lax.fori_loop(0, N_FIELDS, field_step, 0)


def kernel(x_cat, tables):
    tables_tr = tables.transpose(0, 2, 1)
    xidx3 = x_cat.astype(jnp.int32).reshape(N_FIELDS, BATCH // 128, 128)
    mesh = plsc.VectorSubcoreMesh(core_axis_name="c", subcore_axis_name="s")
    fn = pl.kernel(
        _sc_body,
        out_type=jax.ShapeDtypeStruct((N_FIELDS * EMBED_DIM, BATCH),
                                      jnp.float32),
        mesh=mesh,
        scratch_types=[
            pltpu.VMEM((VOCAB,), jnp.float32),
            pltpu.VMEM((BATCH,), jnp.float32),
            pltpu.VMEM((64, 128), jnp.int32),
        ],
        compiler_params=pltpu.CompilerParams(use_tc_tiling_on_sc=False,
                                             needs_layout_passes=False),
    )
    out_t = fn(tables_tr, xidx3)
    return out_t.T

# --- scband reference (transcript-rebuilt; emitter-appended) ---
"""Pipeline reference for scband-cat-embed-56977036149091 (READ-ONLY COPY).

The authoritative reference and input builder live on the scoring server;
editing this copy changes nothing except your own understanding.
"""

import jax, jax.numpy as jnp
import numpy as np

N_FIELDS = 26
BATCH = 16384
VOCAB = 100000
EMBED_DIM = 32


def setup_inputs(seed: int = 0) -> dict:
    key = jax.random.key(seed)
    k1, k2 = jax.random.split(key)
    # x_cat: one index column per categorical field, shape [n_fields, batch, 1]
    x_cat = jax.random.randint(k1, (N_FIELDS, BATCH, 1), 0, VOCAB, dtype=jnp.int64)
    # One embedding table per field (the nn.ModuleDict of nn.Embedding),
    # stacked into a single [n_fields, vocab, embed_dim] parameter tensor.
    tables = jax.random.normal(k2, (N_FIELDS, VOCAB, EMBED_DIM), dtype=jnp.float32) * 0.02
    return {"x_cat": x_cat, "tables": tables}


def reference(x_cat, tables):
    # Faithful translation of CatEmbed.forward: for each categorical feature,
    # look up its embedding ([B, 1, D]), concatenate along dim=2, then squeeze.
    feature_vector = []
    for i in range(N_FIELDS):
        emb = jnp.take(tables[i], x_cat[i], axis=0)  # [B, 1, D] gather (embedding lookup)
        feature_vector.append(emb)
    out = jnp.concatenate(feature_vector, axis=2)  # [B, 1, n_fields*D]
    return jnp.squeeze(out)  # [B, n_fields*D]

if __name__ == "__main__":
    import jax
    _d = setup_inputs()
    print(jax.jit(kernel)(*tuple(_d.values())))

</pallas_src>

<mosaic_0001>
#map = affine_map<(d0, d1) -> (0, 0, 0)>
#map1 = affine_map<(d0, d1) -> (0, 0)>
module attributes {stable_mosaic.version = 14 : i64} {
  func.func @_sc_body(%arg0: i32, %arg1: i32, %arg2: memref<26x32x100000xf32, #tpu.memory_space<hbm>>, %arg3: memref<26x128x128xi32, #tpu.memory_space<hbm>>, %arg4: memref<832x16384xf32, #tpu.memory_space<hbm>>, %arg5: memref<100000xf32, #tpu.memory_space<vmem>>, %arg6: memref<16384xf32, #tpu.memory_space<vmem>>, %arg7: memref<64x128xi32, #tpu.memory_space<vmem>>) attributes {dimension_semantics = [#tpu.dimension_semantics<core_parallel>, #tpu.dimension_semantics<subcore_parallel>], iteration_bounds = array<i64: 2, 16>, scalar_prefetch = 0 : i64, scratch_operands = 3 : i64, tpu.core_type = #tpu.core_type<sc_vector_subcore>, window_params = [{transform_indices = #map}, {transform_indices = #map}, {transform_indices = #map1}]} {
    %mul3A = arith.constant 2 : i32
    %mul3A_0 = arith.muli %arg1, %mul3A : i32
    %add3A = arith.addi %mul3A_0, %arg0 : i32
    %scan3A = arith.constant 0 : i32
    %scan3A_1 = arith.constant 0 : i32
    %scan3A_2 = arith.constant 26 : i32
    %scan3A_3 = arith.addi %scan3A_1, %scan3A_2 : i32
    %scan3A_4 = arith.constant 1 : i32
    scf.for %scan3A_6 = %scan3A_1 to %scan3A_3 step %scan3A_4  : i32 {
      "tpu.region"() ({
        %run_scoped3A = tpu.sem_alloc : memref<!tpu.dma_semaphore, #tpu.memory_space<semaphore_mem>>
        %dma_start3A = arith.constant 0 : i32
        %dma_start3A_22 = tpu.memref_slice %arg2[%scan3A_6, %add3A, %dma_start3A] : memref<26x32x100000xf32, #tpu.memory_space<hbm>> -> memref<1x1x100000xf32, #tpu.memory_space<hbm>>
        %dma_start3A_23 = tpu.memref_squeeze %dma_start3A_22 : memref<1x1x100000xf32, #tpu.memory_space<hbm>> -> memref<100000xf32, #tpu.memory_space<hbm>>
        %dma_start3A_24 = arith.constant 0 : i32
        %dma_start3A_25 = tpu.memref_slice %arg2[%scan3A_6, %add3A, %dma_start3A_24] : memref<26x32x100000xf32, #tpu.memory_space<hbm>> -> memref<1x1x100000xf32, #tpu.memory_space<hbm>>
        %dma_start3A_26 = tpu.memref_squeeze %dma_start3A_25 : memref<1x1x100000xf32, #tpu.memory_space<hbm>> -> memref<100000xf32, #tpu.memory_space<hbm>>
        tpu.enqueue_dma source(%dma_start3A_26 : memref<100000xf32, #tpu.memory_space<hbm>>) target(%arg5 : memref<100000xf32, #tpu.memory_space<vmem>>) target_semaphore(%run_scoped3A : memref<!tpu.dma_semaphore, #tpu.memory_space<semaphore_mem>>)
        %dma_wait3A = arith.constant 0 : i32
        %dma_wait3A_27 = tpu.memref_slice %arg2[%scan3A_6, %add3A, %dma_wait3A] : memref<26x32x100000xf32, #tpu.memory_space<hbm>> -> memref<1x1x100000xf32, #tpu.memory_space<hbm>>
        %dma_wait3A_28 = tpu.memref_squeeze %dma_wait3A_27 : memref<1x1x100000xf32, #tpu.memory_space<hbm>> -> memref<100000xf32, #tpu.memory_space<hbm>>
        %dma_wait3A_29 = arith.constant 0 : i32
        %dma_wait3A_30 = tpu.memref_slice %arg2[%scan3A_6, %add3A, %dma_wait3A_29] : memref<26x32x100000xf32, #tpu.memory_space<hbm>> -> memref<1x1x100000xf32, #tpu.memory_space<hbm>>
        %dma_wait3A_31 = tpu.memref_squeeze %dma_wait3A_30 : memref<1x1x100000xf32, #tpu.memory_space<hbm>> -> memref<100000xf32, #tpu.memory_space<hbm>>
        tpu.wait_dma2 semaphore(%run_scoped3A : memref<!tpu.dma_semaphore, #tpu.memory_space<semaphore_mem>>) src(%dma_wait3A_31 : memref<100000xf32, #tpu.memory_space<hbm>>) dst(%arg5 : memref<100000xf32, #tpu.memory_space<vmem>>)
        tpu.yield
      }) : () -> ()
      "tpu.region"() ({
        %run_scoped3A = tpu.sem_alloc : memref<!tpu.dma_semaphore, #tpu.memory_space<semaphore_mem>>
        %dma_start3A = arith.constant 0 : i32
        %dma_start3A_22 = arith.constant 0 : i32
        %dma_start3A_23 = tpu.memref_slice %arg3[%scan3A_6, %dma_start3A, %dma_start3A_22] : memref<26x128x128xi32, #tpu.memory_space<hbm>> -> memref<1x64x128xi32, #tpu.memory_space<hbm>>
        %dma_start3A_24 = tpu.memref_squeeze %dma_start3A_23 : memref<1x64x128xi32, #tpu.memory_space<hbm>> -> memref<64x128xi32, #tpu.memory_space<hbm>>
        %dma_start3A_25 = arith.constant 0 : i32
        %dma_start3A_26 = arith.constant 0 : i32
        %dma_start3A_27 = tpu.memref_slice %arg3[%scan3A_6, %dma_start3A_25, %dma_start3A_26] : memref<26x128x128xi32, #tpu.memory_space<hbm>> -> memref<1x64x128xi32, #tpu.memory_space<hbm>>
        %dma_start3A_28 = tpu.memref_squeeze %dma_start3A_27 : memref<1x64x128xi32, #tpu.memory_space<hbm>> -> memref<64x128xi32, #tpu.memory_space<hbm>>
        tpu.enqueue_dma source(%dma_start3A_28 : memref<64x128xi32, #tpu.memory_space<hbm>>) target(%arg7 : memref<64x128xi32, #tpu.memory_space<vmem>>) target_semaphore(%run_scoped3A : memref<!tpu.dma_semaphore, #tpu.memory_space<semaphore_mem>>)
        %dma_wait3A = arith.constant 0 : i32
        %dma_wait3A_29 = arith.constant 0 : i32
        %dma_wait3A_30 = tpu.memref_slice %arg3[%scan3A_6, %dma_wait3A, %dma_wait3A_29] : memref<26x128x128xi32, #tpu.memory_space<hbm>> -> memref<1x64x128xi32, #tpu.memory_space<hbm>>
        %dma_wait3A_31 = tpu.memref_squeeze %dma_wait3A_30 : memref<1x64x128xi32, #tpu.memory_space<hbm>> -> memref<64x128xi32, #tpu.memory_space<hbm>>
        %dma_wait3A_32 = arith.constant 0 : i32
        %dma_wait3A_33 = arith.constant 0 : i32
        %dma_wait3A_34 = tpu.memref_slice %arg3[%scan3A_6, %dma_wait3A_32, %dma_wait3A_33] : memref<26x128x128xi32, #tpu.memory_space<hbm>> -> memref<1x64x128xi32, #tpu.memory_space<hbm>>
        %dma_wait3A_35 = tpu.memref_squeeze %dma_wait3A_34 : memref<1x64x128xi32, #tpu.memory_space<hbm>> -> memref<64x128xi32, #tpu.memory_space<hbm>>
        tpu.wait_dma2 semaphore(%run_scoped3A : memref<!tpu.dma_semaphore, #tpu.memory_space<semaphore_mem>>) src(%dma_wait3A_35 : memref<64x128xi32, #tpu.memory_space<hbm>>) dst(%arg7 : memref<64x128xi32, #tpu.memory_space<vmem>>)
        tpu.yield
      }) : () -> ()
      %scan3A_7 = arith.constant 0 : i32
      %scan3A_8 = arith.constant 0 : i32
      %scan3A_9 = arith.constant 64 : i32
      %scan3A_10 = arith.addi %scan3A_8, %scan3A_9 : i32
      %scan3A_11 = arith.constant 1 : i32
      scf.for %scan3A_22 = %scan3A_8 to %scan3A_10 step %scan3A_11  : i32 {
        %get3A = arith.index_cast %scan3A_22 : i32 to index
        %get3A_23 = arith.constant 0 : index
        %get3A_24 = tpu.vector_load %arg7[%get3A, %get3A_23] {strides = array<i32>} : memref<64x128xi32, #tpu.memory_space<vmem>>, vector<16xi32>,
        %gather3A = tpu.vector_load_idx %arg5[%get3A_24] : memref<100000xf32, #tpu.memory_space<vmem>>[vector<16xi32>], vector<16xf32>,
        %mul3A_25 = arith.constant 128 : i32
        %mul3A_26 = arith.muli %scan3A_22, %mul3A_25 : i32
        %add3A_27 = arith.constant 0 : i32
        %add3A_28 = arith.addi %add3A_27, %mul3A_26 : i32
        %add3A_29 = arith.constant 0 : i32
        %add3A_30 = arith.addi %add3A_28, %add3A_29 : i32
        %swap3A = arith.index_cast %add3A_30 : i32 to index
        %swap3A_31 = tpu.vector_load %arg6[%swap3A] {strides = array<i32>} : memref<16384xf32, #tpu.memory_space<vmem>>, vector<16xf32>,
        tpu.vector_store %arg6[%swap3A], %gather3A {strides = array<i32>} : memref<16384xf32, #tpu.memory_space<vmem>>, vector<16xf32>,
        %get3A_32 = arith.index_cast %scan3A_22 : i32 to index
        %get3A_33 = arith.constant 16 : index
        %get3A_34 = tpu.vector_load %arg7[%get3A_32, %get3A_33] {strides = array<i32>} : memref<64x128xi32, #tpu.memory_space<vmem>>, vector<16xi32>,
        %gather3A_35 = tpu.vector_load_idx %arg5[%get3A_34] : memref<100000xf32, #tpu.memory_space<vmem>>[vector<16xi32>], vector<16xf32>,
        %mul3A_36 = arith.constant 128 : i32
        %mul3A_37 = arith.muli %scan3A_22, %mul3A_36 : i32
        %add3A_38 = arith.constant 0 : i32
        %add3A_39 = arith.addi %add3A_38, %mul3A_37 : i32
        %add3A_40 = arith.constant 16 : i32
        %add3A_41 = arith.addi %add3A_39, %add3A_40 : i32
        %swap3A_42 = arith.index_cast %add3A_41 : i32 to index
        %swap3A_43 = tpu.vector_load %arg6[%swap3A_42] {strides = array<i32>} : memref<16384xf32, #tpu.memory_space<vmem>>, vector<16xf32>,
        tpu.vector_store %arg6[%swap3A_42], %gather3A_35 {strides = array<i32>} : memref<16384xf32, #tpu.memory_space<vmem>>, vector<16xf32>,
        %get3A_44 = arith.index_cast %scan3A_22 : i32 to index
        %get3A_45 = arith.constant 32 : index
        %get3A_46 = tpu.vector_load %arg7[%get3A_44, %get3A_45] {strides = array<i32>} : memref<64x128xi32, #tpu.memory_space<vmem>>, vector<16xi32>,
        %gather3A_47 = tpu.vector_load_idx %arg5[%get3A_46] : memref<100000xf32, #tpu.memory_space<vmem>>[vector<16xi32>], vector<16xf32>,
        %mul3A_48 = arith.constant 128 : i32
        %mul3A_49 = arith.muli %scan3A_22, %mul3A_48 : i32
        %add3A_50 = arith.constant 0 : i32
        %add3A_51 = arith.addi %add3A_50, %mul3A_49 : i32
        %add3A_52 = arith.constant 32 : i32
        %add3A_53 = arith.addi %add3A_51, %add3A_52 : i32
        %swap3A_54 = arith.index_cast %add3A_53 : i32 to index
        %swap3A_55 = tpu.vector_load %arg6[%swap3A_54] {strides = array<i32>} : memref<16384xf32, #tpu.memory_space<vmem>>, vector<16xf32>,
        tpu.vector_store %arg6[%swap3A_54], %gather3A_47 {strides = array<i32>} : memref<16384xf32, #tpu.memory_space<vmem>>, vector<16xf32>,
        %get3A_56 = arith.index_cast %scan3A_22 : i32 to index
        %get3A_57 = arith.constant 48 : index
        %get3A_58 = tpu.vector_load %arg7[%get3A_56, %get3A_57] {strides = array<i32>} : memref<64x128xi32, #tpu.memory_space<vmem>>, vector<16xi32>,
        %gather3A_59 = tpu.vector_load_idx %arg5[%get3A_58] : memref<100000xf32, #tpu.memory_space<vmem>>[vector<16xi32>], vector<16xf32>,
        %mul3A_60 = arith.constant 128 : i32
        %mul3A_61 = arith.muli %scan3A_22, %mul3A_60 : i32
        %add3A_62 = arith.constant 0 : i32
        %add3A_63 = arith.addi %add3A_62, %mul3A_61 : i32
        %add3A_64 = arith.constant 48 : i32
        %add3A_65 = arith.addi %add3A_63, %add3A_64 : i32
        %swap3A_66 = arith.index_cast %add3A_65 : i32 to index
        %swap3A_67 = tpu.vector_load %arg6[%swap3A_66] {strides = array<i32>} : memref<16384xf32, #tpu.memory_space<vmem>>, vector<16xf32>,
        tpu.vector_store %arg6[%swap3A_66], %gather3A_59 {strides = array<i32>} : memref<16384xf32, #tpu.memory_space<vmem>>, vector<16xf32>,
        %get3A_68 = arith.index_cast %scan3A_22 : i32 to index
        %get3A_69 = arith.constant 64 : index
        %get3A_70 = tpu.vector_load %arg7[%get3A_68, %get3A_69] {strides = array<i32>} : memref<64x128xi32, #tpu.memory_space<vmem>>, vector<16xi32>,
        %gather3A_71 = tpu.vector_load_idx %arg5[%get3A_70] : memref<100000xf32, #tpu.memory_space<vmem>>[vector<16xi32>], vector<16xf32>,
        %mul3A_72 = arith.constant 128 : i32
        %mul3A_73 = arith.muli %scan3A_22, %mul3A_72 : i32
        %add3A_74 = arith.constant 0 : i32
        %add3A_75 = arith.addi %add3A_74, %mul3A_73 : i32
        %add3A_76 = arith.constant 64 : i32
        %add3A_77 = arith.addi %add3A_75, %add3A_76 : i32
        %swap3A_78 = arith.index_cast %add3A_77 : i32 to index
        %swap3A_79 = tpu.vector_load %arg6[%swap3A_78] {strides = array<i32>} : memref<16384xf32, #tpu.memory_space<vmem>>, vector<16xf32>,
        tpu.vector_store %arg6[%swap3A_78], %gather3A_71 {strides = array<i32>} : memref<16384xf32, #tpu.memory_space<vmem>>, vector<16xf32>,
        %get3A_80 = arith.index_cast %scan3A_22 : i32 to index
        %get3A_81 = arith.constant 80 : index
        %get3A_82 = tpu.vector_load %arg7[%get3A_80, %get3A_81] {strides = array<i32>} : memref<64x128xi32, #tpu.memory_space<vmem>>, vector<16xi32>,
        %gather3A_83 = tpu.vector_load_idx %arg5[%get3A_82] : memref<100000xf32, #tpu.memory_space<vmem>>[vector<16xi32>], vector<16xf32>,
        %mul3A_84 = arith.constant 128 : i32
        %mul3A_85 = arith.muli %scan3A_22, %mul3A_84 : i32
        %add3A_86 = arith.constant 0 : i32
        %add3A_87 = arith.addi %add3A_86, %mul3A_85 : i32
        %add3A_88 = arith.constant 80 : i32
        %add3A_89 = arith.addi %add3A_87, %add3A_88 : i32
        %swap3A_90 = arith.index_cast %add3A_89 : i32 to index
        %swap3A_91 = tpu.vector_load %arg6[%swap3A_90] {strides = array<i32>} : memref<16384xf32, #tpu.memory_space<vmem>>, vector<16xf32>,
        tpu.vector_store %arg6[%swap3A_90], %gather3A_83 {strides = array<i32>} : memref<16384xf32, #tpu.memory_space<vmem>>, vector<16xf32>,
        %get3A_92 = arith.index_cast %scan3A_22 : i32 to index
        %get3A_93 = arith.constant 96 : index
        %get3A_94 = tpu.vector_load %arg7[%get3A_92, %get3A_93] {strides = array<i32>} : memref<64x128xi32, #tpu.memory_space<vmem>>, vector<16xi32>,
        %gather3A_95 = tpu.vector_load_idx %arg5[%get3A_94] : memref<100000xf32, #tpu.memory_space<vmem>>[vector<16xi32>], vector<16xf32>,
        %mul3A_96 = arith.constant 128 : i32
        %mul3A_97 = arith.muli %scan3A_22, %mul3A_96 : i32
        %add3A_98 = arith.constant 0 : i32
        %add3A_99 = arith.addi %add3A_98, %mul3A_97 : i32
        %add3A_100 = arith.constant 96 : i32
        %add3A_101 = arith.addi %add3A_99, %add3A_100 : i32
        %swap3A_102 = arith.index_cast %add3A_101 : i32 to index
        %swap3A_103 = tpu.vector_load %arg6[%swap3A_102] {strides = array<i32>} : memref<16384xf32, #tpu.memory_space<vmem>>, vector<16xf32>,
        tpu.vector_store %arg6[%swap3A_102], %gather3A_95 {strides = array<i32>} : memref<16384xf32, #tpu.memory_space<vmem>>, vector<16xf32>,
        %get3A_104 = arith.index_cast %scan3A_22 : i32 to index
        %get3A_105 = arith.constant 112 : index
        %get3A_106 = tpu.vector_load %arg7[%get3A_104, %get3A_105] {strides = array<i32>} : memref<64x128xi32, #tpu.memory_space<vmem>>, vector<16xi32>,
        %gather3A_107 = tpu.vector_load_idx %arg5[%get3A_106] : memref<100000xf32, #tpu.memory_space<vmem>>[vector<16xi32>], vector<16xf32>,
        %mul3A_108 = arith.constant 128 : i32
        %mul3A_109 = arith.muli %scan3A_22, %mul3A_108 : i32
        %add3A_110 = arith.constant 0 : i32
        %add3A_111 = arith.addi %add3A_110, %mul3A_109 : i32
        %add3A_112 = arith.constant 112 : i32
        %add3A_113 = arith.addi %add3A_111, %add3A_112 : i32
        %swap3A_114 = arith.index_cast %add3A_113 : i32 to index
        %swap3A_115 = tpu.vector_load %arg6[%swap3A_114] {strides = array<i32>} : memref<16384xf32, #tpu.memory_space<vmem>>, vector<16xf32>,
        tpu.vector_store %arg6[%swap3A_114], %gather3A_107 {strides = array<i32>} : memref<16384xf32, #tpu.memory_space<vmem>>, vector<16xf32>,
      }
      %scan3A_12 = arith.constant 64 : i32
      "tpu.region"() ({
        %run_scoped3A = tpu.sem_alloc : memref<!tpu.dma_semaphore, #tpu.memory_space<semaphore_mem>>
        %dma_start3A = arith.constant 64 : i32
        %dma_start3A_22 = arith.constant 0 : i32
        %dma_start3A_23 = tpu.memref_slice %arg3[%scan3A_6, %dma_start3A, %dma_start3A_22] : memref<26x128x128xi32, #tpu.memory_space<hbm>> -> memref<1x64x128xi32, #tpu.memory_space<hbm>>
        %dma_start3A_24 = tpu.memref_squeeze %dma_start3A_23 : memref<1x64x128xi32, #tpu.memory_space<hbm>> -> memref<64x128xi32, #tpu.memory_space<hbm>>
        %dma_start3A_25 = arith.constant 64 : i32
        %dma_start3A_26 = arith.constant 0 : i32
        %dma_start3A_27 = tpu.memref_slice %arg3[%scan3A_6, %dma_start3A_25, %dma_start3A_26] : memref<26x128x128xi32, #tpu.memory_space<hbm>> -> memref<1x64x128xi32, #tpu.memory_space<hbm>>
        %dma_start3A_28 = tpu.memref_squeeze %dma_start3A_27 : memref<1x64x128xi32, #tpu.memory_space<hbm>> -> memref<64x128xi32, #tpu.memory_space<hbm>>
        tpu.enqueue_dma source(%dma_start3A_28 : memref<64x128xi32, #tpu.memory_space<hbm>>) target(%arg7 : memref<64x128xi32, #tpu.memory_space<vmem>>) target_semaphore(%run_scoped3A : memref<!tpu.dma_semaphore, #tpu.memory_space<semaphore_mem>>)
        %dma_wait3A = arith.constant 64 : i32
        %dma_wait3A_29 = arith.constant 0 : i32
        %dma_wait3A_30 = tpu.memref_slice %arg3[%scan3A_6, %dma_wait3A, %dma_wait3A_29] : memref<26x128x128xi32, #tpu.memory_space<hbm>> -> memref<1x64x128xi32, #tpu.memory_space<hbm>>
        %dma_wait3A_31 = tpu.memref_squeeze %dma_wait3A_30 : memref<1x64x128xi32, #tpu.memory_space<hbm>> -> memref<64x128xi32, #tpu.memory_space<hbm>>
        %dma_wait3A_32 = arith.constant 64 : i32
        %dma_wait3A_33 = arith.constant 0 : i32
        %dma_wait3A_34 = tpu.memref_slice %arg3[%scan3A_6, %dma_wait3A_32, %dma_wait3A_33] : memref<26x128x128xi32, #tpu.memory_space<hbm>> -> memref<1x64x128xi32, #tpu.memory_space<hbm>>
        %dma_wait3A_35 = tpu.memref_squeeze %dma_wait3A_34 : memref<1x64x128xi32, #tpu.memory_space<hbm>> -> memref<64x128xi32, #tpu.memory_space<hbm>>
        tpu.wait_dma2 semaphore(%run_scoped3A : memref<!tpu.dma_semaphore, #tpu.memory_space<semaphore_mem>>) src(%dma_wait3A_35 : memref<64x128xi32, #tpu.memory_space<hbm>>) dst(%arg7 : memref<64x128xi32, #tpu.memory_space<vmem>>)
        tpu.yield
      }) : () -> ()
      %scan3A_13 = arith.constant 0 : i32
      %scan3A_14 = arith.constant 0 : i32
      %scan3A_15 = arith.constant 64 : i32
      %scan3A_16 = arith.addi %scan3A_14, %scan3A_15 : i32
      %scan3A_17 = arith.constant 1 : i32
      scf.for %scan3A_22 = %scan3A_14 to %scan3A_16 step %scan3A_17  : i32 {
        %get3A = arith.index_cast %scan3A_22 : i32 to index
        %get3A_23 = arith.constant 0 : index
        %get3A_24 = tpu.vector_load %arg7[%get3A, %get3A_23] {strides = array<i32>} : memref<64x128xi32, #tpu.memory_space<vmem>>, vector<16xi32>,
        %gather3A = tpu.vector_load_idx %arg5[%get3A_24] : memref<100000xf32, #tpu.memory_space<vmem>>[vector<16xi32>], vector<16xf32>,
        %mul3A_25 = arith.constant 128 : i32
        %mul3A_26 = arith.muli %scan3A_22, %mul3A_25 : i32
        %add3A_27 = arith.constant 8192 : i32
        %add3A_28 = arith.addi %add3A_27, %mul3A_26 : i32
        %add3A_29 = arith.constant 0 : i32
        %add3A_30 = arith.addi %add3A_28, %add3A_29 : i32
        %swap3A = arith.index_cast %add3A_30 : i32 to index
        %swap3A_31 = tpu.vector_load %arg6[%swap3A] {strides = array<i32>} : memref<16384xf32, #tpu.memory_space<vmem>>, vector<16xf32>,
        tpu.vector_store %arg6[%swap3A], %gather3A {strides = array<i32>} : memref<16384xf32, #tpu.memory_space<vmem>>, vector<16xf32>,
        %get3A_32 = arith.index_cast %scan3A_22 : i32 to index
        %get3A_33 = arith.constant 16 : index
        %get3A_34 = tpu.vector_load %arg7[%get3A_32, %get3A_33] {strides = array<i32>} : memref<64x128xi32, #tpu.memory_space<vmem>>, vector<16xi32>,
        %gather3A_35 = tpu.vector_load_idx %arg5[%get3A_34] : memref<100000xf32, #tpu.memory_space<vmem>>[vector<16xi32>], vector<16xf32>,
        %mul3A_36 = arith.constant 128 : i32
        %mul3A_37 = arith.muli %scan3A_22, %mul3A_36 : i32
        %add3A_38 = arith.constant 8192 : i32
        %add3A_39 = arith.addi %add3A_38, %mul3A_37 : i32
        %add3A_40 = arith.constant 16 : i32
        %add3A_41 = arith.addi %add3A_39, %add3A_40 : i32
        %swap3A_42 = arith.index_cast %add3A_41 : i32 to index
        %swap3A_43 = tpu.vector_load %arg6[%swap3A_42] {strides = array<i32>} : memref<16384xf32, #tpu.memory_space<vmem>>, vector<16xf32>,
        tpu.vector_store %arg6[%swap3A_42], %gather3A_35 {strides = array<i32>} : memref<16384xf32, #tpu.memory_space<vmem>>, vector<16xf32>,
        %get3A_44 = arith.index_cast %scan3A_22 : i32 to index
        %get3A_45 = arith.constant 32 : index
        %get3A_46 = tpu.vector_load %arg7[%get3A_44, %get3A_45] {strides = array<i32>} : memref<64x128xi32, #tpu.memory_space<vmem>>, vector<16xi32>,
        %gather3A_47 = tpu.vector_load_idx %arg5[%get3A_46] : memref<100000xf32, #tpu.memory_space<vmem>>[vector<16xi32>], vector<16xf32>,
        %mul3A_48 = arith.constant 128 : i32
        %mul3A_49 = arith.muli %scan3A_22, %mul3A_48 : i32
        %add3A_50 = arith.constant 8192 : i32
        %add3A_51 = arith.addi %add3A_50, %mul3A_49 : i32
        %add3A_52 = arith.constant 32 : i32
        %add3A_53 = arith.addi %add3A_51, %add3A_52 : i32
        %swap3A_54 = arith.index_cast %add3A_53 : i32 to index
        %swap3A_55 = tpu.vector_load %arg6[%swap3A_54] {strides = array<i32>} : memref<16384xf32, #tpu.memory_space<vmem>>, vector<16xf32>,
        tpu.vector_store %arg6[%swap3A_54], %gather3A_47 {strides = array<i32>} : memref<16384xf32, #tpu.memory_space<vmem>>, vector<16xf32>,
        %get3A_56 = arith.index_cast %scan3A_22 : i32 to index
        %get3A_57 = arith.constant 48 : index
        %get3A_58 = tpu.vector_load %arg7[%get3A_56, %get3A_57] {strides = array<i32>} : memref<64x128xi32, #tpu.memory_space<vmem>>, vector<16xi32>,
        %gather3A_59 = tpu.vector_load_idx %arg5[%get3A_58] : memref<100000xf32, #tpu.memory_space<vmem>>[vector<16xi32>], vector<16xf32>,
        %mul3A_60 = arith.constant 128 : i32
        %mul3A_61 = arith.muli %scan3A_22, %mul3A_60 : i32
        %add3A_62 = arith.constant 8192 : i32
        %add3A_63 = arith.addi %add3A_62, %mul3A_61 : i32
        %add3A_64 = arith.constant 48 : i32
        %add3A_65 = arith.addi %add3A_63, %add3A_64 : i32
        %swap3A_66 = arith.index_cast %add3A_65 : i32 to index
        %swap3A_67 = tpu.vector_load %arg6[%swap3A_66] {strides = array<i32>} : memref<16384xf32, #tpu.memory_space<vmem>>, vector<16xf32>,
        tpu.vector_store %arg6[%swap3A_66], %gather3A_59 {strides = array<i32>} : memref<16384xf32, #tpu.memory_space<vmem>>, vector<16xf32>,
        %get3A_68 = arith.index_cast %scan3A_22 : i32 to index
        %get3A_69 = arith.constant 64 : index
        %get3A_70 = tpu.vector_load %arg7[%get3A_68, %get3A_69] {strides = array<i32>} : memref<64x128xi32, #tpu.memory_space<vmem>>, vector<16xi32>,
        %gather3A_71 = tpu.vector_load_idx %arg5[%get3A_70] : memref<100000xf32, #tpu.memory_space<vmem>>[vector<16xi32>], vector<16xf32>,
        %mul3A_72 = arith.constant 128 : i32
        %mul3A_73 = arith.muli %scan3A_22, %mul3A_72 : i32
        %add3A_74 = arith.constant 8192 : i32
        %add3A_75 = arith.addi %add3A_74, %mul3A_73 : i32
        %add3A_76 = arith.constant 64 : i32
        %add3A_77 = arith.addi %add3A_75, %add3A_76 : i32
        %swap3A_78 = arith.index_cast %add3A_77 : i32 to index
        %swap3A_79 = tpu.vector_load %arg6[%swap3A_78] {strides = array<i32>} : memref<16384xf32, #tpu.memory_space<vmem>>, vector<16xf32>,
        tpu.vector_store %arg6[%swap3A_78], %gather3A_71 {strides = array<i32>} : memref<16384xf32, #tpu.memory_space<vmem>>, vector<16xf32>,
        %get3A_80 = arith.index_cast %scan3A_22 : i32 to index
        %get3A_81 = arith.constant 80 : index
        %get3A_82 = tpu.vector_load %arg7[%get3A_80, %get3A_81] {strides = array<i32>} : memref<64x128xi32, #tpu.memory_space<vmem>>, vector<16xi32>,
        %gather3A_83 = tpu.vector_load_idx %arg5[%get3A_82] : memref<100000xf32, #tpu.memory_space<vmem>>[vector<16xi32>], vector<16xf32>,
        %mul3A_84 = arith.constant 128 : i32
        %mul3A_85 = arith.muli %scan3A_22, %mul3A_84 : i32
        %add3A_86 = arith.constant 8192 : i32
        %add3A_87 = arith.addi %add3A_86, %mul3A_85 : i32
        %add3A_88 = arith.constant 80 : i32
        %add3A_89 = arith.addi %add3A_87, %add3A_88 : i32
        %swap3A_90 = arith.index_cast %add3A_89 : i32 to index
        %swap3A_91 = tpu.vector_load %arg6[%swap3A_90] {strides = array<i32>} : memref<16384xf32, #tpu.memory_space<vmem>>, vector<16xf32>,
        tpu.vector_store %arg6[%swap3A_90], %gather3A_83 {strides = array<i32>} : memref<16384xf32, #tpu.memory_space<vmem>>, vector<16xf32>,
        %get3A_92 = arith.index_cast %scan3A_22 : i32 to index
        %get3A_93 = arith.constant 96 : index
        %get3A_94 = tpu.vector_load %arg7[%get3A_92, %get3A_93] {strides = array<i32>} : memref<64x128xi32, #tpu.memory_space<vmem>>, vector<16xi32>,
        %gather3A_95 = tpu.vector_load_idx %arg5[%get3A_94] : memref<100000xf32, #tpu.memory_space<vmem>>[vector<16xi32>], vector<16xf32>,
        %mul3A_96 = arith.constant 128 : i32
        %mul3A_97 = arith.muli %scan3A_22, %mul3A_96 : i32
        %add3A_98 = arith.constant 8192 : i32
        %add3A_99 = arith.addi %add3A_98, %mul3A_97 : i32
        %add3A_100 = arith.constant 96 : i32
        %add3A_101 = arith.addi %add3A_99, %add3A_100 : i32
        %swap3A_102 = arith.index_cast %add3A_101 : i32 to index
        %swap3A_103 = tpu.vector_load %arg6[%swap3A_102] {strides = array<i32>} : memref<16384xf32, #tpu.memory_space<vmem>>, vector<16xf32>,
        tpu.vector_store %arg6[%swap3A_102], %gather3A_95 {strides = array<i32>} : memref<16384xf32, #tpu.memory_space<vmem>>, vector<16xf32>,
        %get3A_104 = arith.index_cast %scan3A_22 : i32 to index
        %get3A_105 = arith.constant 112 : index
        %get3A_106 = tpu.vector_load %arg7[%get3A_104, %get3A_105] {strides = array<i32>} : memref<64x128xi32, #tpu.memory_space<vmem>>, vector<16xi32>,
        %gather3A_107 = tpu.vector_load_idx %arg5[%get3A_106] : memref<100000xf32, #tpu.memory_space<vmem>>[vector<16xi32>], vector<16xf32>,
        %mul3A_108 = arith.constant 128 : i32
        %mul3A_109 = arith.muli %scan3A_22, %mul3A_108 : i32
        %add3A_110 = arith.constant 8192 : i32
        %add3A_111 = arith.addi %add3A_110, %mul3A_109 : i32
        %add3A_112 = arith.constant 112 : i32
        %add3A_113 = arith.addi %add3A_111, %add3A_112 : i32
        %swap3A_114 = arith.index_cast %add3A_113 : i32 to index
        %swap3A_115 = tpu.vector_load %arg6[%swap3A_114] {strides = array<i32>} : memref<16384xf32, #tpu.memory_space<vmem>>, vector<16xf32>,
        tpu.vector_store %arg6[%swap3A_114], %gather3A_107 {strides = array<i32>} : memref<16384xf32, #tpu.memory_space<vmem>>, vector<16xf32>,
      }
      %scan3A_18 = arith.constant 64 : i32
      %mul3A_19 = arith.constant 32 : i32
      %mul3A_20 = arith.muli %scan3A_6, %mul3A_19 : i32
      %add3A_21 = arith.addi %mul3A_20, %add3A : i32
      "tpu.region"() ({
        %run_scoped3A = tpu.sem_alloc : memref<!tpu.dma_semaphore, #tpu.memory_space<semaphore_mem>>
        %dma_start3A = arith.constant 0 : i32
        %dma_start3A_22 = tpu.memref_slice %arg4[%add3A_21, %dma_start3A] : memref<832x16384xf32, #tpu.memory_space<hbm>> -> memref<1x16384xf32, #tpu.memory_space<hbm>>
        %dma_start3A_23 = tpu.memref_squeeze %dma_start3A_22 : memref<1x16384xf32, #tpu.memory_space<hbm>> -> memref<16384xf32, #tpu.memory_space<hbm>>
        %dma_start3A_24 = arith.constant 0 : i32
        %dma_start3A_25 = tpu.memref_slice %arg4[%add3A_21, %dma_start3A_24] : memref<832x16384xf32, #tpu.memory_space<hbm>> -> memref<1x16384xf32, #tpu.memory_space<hbm>>
        %dma_start3A_26 = tpu.memref_squeeze %dma_start3A_25 : memref<1x16384xf32, #tpu.memory_space<hbm>> -> memref<16384xf32, #tpu.memory_space<hbm>>
        tpu.enqueue_dma source(%arg6 : memref<16384xf32, #tpu.memory_space<vmem>>) target(%dma_start3A_26 : memref<16384xf32, #tpu.memory_space<hbm>>) target_semaphore(%run_scoped3A : memref<!tpu.dma_semaphore, #tpu.memory_space<semaphore_mem>>)
        %dma_wait3A = arith.constant 0 : i32
        %dma_wait3A_27 = tpu.memref_slice %arg4[%add3A_21, %dma_wait3A] : memref<832x16384xf32, #tpu.memory_space<hbm>> -> memref<1x16384xf32, #tpu.memory_space<hbm>>
        %dma_wait3A_28 = tpu.memref_squeeze %dma_wait3A_27 : memref<1x16384xf32, #tpu.memory_space<hbm>> -> memref<16384xf32, #tpu.memory_space<hbm>>
        %dma_wait3A_29 = arith.constant 0 : i32
        %dma_wait3A_30 = tpu.memref_slice %arg4[%add3A_21, %dma_wait3A_29] : memref<832x16384xf32, #tpu.memory_space<hbm>> -> memref<1x16384xf32, #tpu.memory_space<hbm>>
        %dma_wait3A_31 = tpu.memref_squeeze %dma_wait3A_30 : memref<1x16384xf32, #tpu.memory_space<hbm>> -> memref<16384xf32, #tpu.memory_space<hbm>>
        tpu.wait_dma2 semaphore(%run_scoped3A : memref<!tpu.dma_semaphore, #tpu.memory_space<semaphore_mem>>) src(%arg6 : memref<16384xf32, #tpu.memory_space<vmem>>) dst(%dma_wait3A_31 : memref<16384xf32, #tpu.memory_space<hbm>>)
        tpu.yield
      }) : () -> ()
    }
    %scan3A_5 = arith.constant 26 : i32
    return
  }
}

</mosaic_0001>

<sc_bundles>
// kernel: kernel.3.cloned.1.call-start
scs
__scs_entry_jumppad:
0x0: {  	(pc) =	sbr.rel $0x88, $3  }
0x1: {  	(tag) =	ssettag $0x0;
	lr =	simm.s32 $0x1  }
0x2: {  	[smem:$0x3F9F] =	sst lr;
	_ =	strace $0xD0000000  }
0x3: {  	_ = 	snop  }
0x4: {  	_ = 	snop  }
0x5: {  	_ = 	snop  }
0x6: {  	_ = 	snop  }
0x7: {  	_ = 	snop  }
__scs_overlays_trampoline_lowered:
0x8: {  	[smem:$0x3FAE] =	sst s0  }
0x9: {  	[smem:$0x3FAF] =	sst s1  }
0xa: {  	[smem:$0x3FB0] =	sst s2  }
0xb: {  	[smem:$0x3FB1] =	sst s3  }
0xc: {  	[smem:$0x3FB2] =	sst s4  }
0xd: {  	[smem:$0x3FB3] =	sst s5  }
0xe: {  	[smem:$0x3FB4] =	sst s6  }
0xf: {  	[smem:$0x3FB5] =	sst s7  }
0x10: {  	[smem:$0x3FB6] =	sst s8  }
0x11: {  	[smem:$0x3FB7] =	sst s9;
	s0 =	simm.s32 @!p0 $0x0  }
0x12: {  	s1 =	sld [smem:$0x3F9D];
	s0 =	simm.s32 @p0 $0x1  }
0x13: {  	[smem:$0x3FB8] =	sst s0;
	s0 =	simm.s32 @!p1 $0x0  }
0x14: {  	s2 =	sld [smem:$0x3F9C];
	s0 =	simm.s32 @p1 $0x1  }
0x15: {  	[smem:$0x3FB9] =	sst s0;
	s0 =	simm.s32 @!p2 $0x0  }
0x16: {  	s3 =	sld [smem:$0x3FDB];
	s0 =	simm.s32 @p2 $0x1  }
0x17: {  	s4 =	simm.s32 $0x1BF5;
	[smem:$0x3FBB] =	sst s0  }
0x18: {  	s0 =	sld [smem:$0x3F9E];
	_ =	swait.ge [sflag:s4], $0x0  }
0x19: {  	s7 =	sld [smem:$0x3F9F]  }
0x1a: {  	s8 =	sadd.s32 $0xFFFFE003, lr  }
0x1b: {  	s9 =	sadd.s32 $0xFFFFFEF7, lr;
	s5 =	simm.s32 $0xFFFFFFFF;
	p2 =	slt.u32 s8, $0xFFFFF086  }
0x1c: {  	p1 =	slt.u32 s9, $0xF7A;
	s5 =	simm.s32 @!p2 $0x0  }
0x1d: {  	s5 =	simm.s32 @p1 $0x1;
	p0 =	seq.s32 s7, s2  }
0x1e: {  	s7 =	smul.u32 @!p0 $0xF7A, s2;
	p2 =	seq.s32 @!p0 s5, $0x0  }
0x1f: {  	s9 =	smul.u32 $0xF7A, s1;
	s8 =	simm.s32 @!p0 $0x1BF5;
	p2 =	por !p2, p0  }
0x20: {  	[sflag:s8] =	ssyncset.s32 @!p0 $0xFFFFF086;
	s6 =	sadd.s32 @!p0 s3, s7;
	s7 =	simm.s32 @!p0 $0x108  }
0x21: {  	s3 =	sadd.s32 s3, s9;
	s6 =	sadd.s32 @!p0 $0x88, s6;
	s7 =	simm.s32 @p2 $0x1082  }
0x22: {  	[simem:s7], [sflag:s8] =	dma.local @!p0 [hbm:s6], $0xF7A  }
0x23: {  	s9 =	sor.u32 $0xD0000000, s2;
	s6 =	simm.s32 $0x108;
	_ =	swait.ge @!p0 [sflag:s8], $0x0  }
0x24: {  	s3 =	sadd.s32 $0x88, s3;
	s6 =	simm.s32 @!p1 $0x1082;
	[sflag:s4] =	ssyncset.s32 $0xFFFFF086  }
0x25: {  	[simem:s6], [sflag:s4] =	dma.local [hbm:s3], $0xF7A  }
0x26: {  	[smem:$0x3F9F] =	sst s1;
	(tag) =	ssettag s2;
	_ =	strace s9  }
0x27: {  	s1 =	sld [smem:$0x3FAF]  }
0x28: {  	s2 =	sld [smem:$0x3FB0]  }
0x29: {  	s4 =	sld [smem:$0x3FB2]  }
0x2a: {  	p0 =	seq.s32 s5, $0x0;
	s5 =	sld [smem:$0x3FB3]  }
0x2b: {  	s6 =	sld [smem:$0x3FB4]  }
0x2c: {  	s7 =	sld [smem:$0x3FB5]  }
0x2d: {  	s3 =	simm.s32 $0x108;
	s8 =	sld [smem:$0x3FB6]  }
0x2e: {  	s3 =	simm.s32 @!p0 $0x1082;
	s9 =	sld [smem:$0x3FB7]  }
0x2f: {  	lr =	sadd.s32 s0, s3;
	s0 =	sld [smem:$0x3FAE]  }
0x30: {  	s3 =	sld [smem:$0x3FB1]  }
0x31: {  	[smem:$0x3FBA] =	sst s10  }
0x32: {  	s10 =	sld [smem:$0x3FB8];
	_ =	sdelay $0x3  }
0x33: {  	p0 =	seq.s32 s10, $0x1;
	s10 =	sld [smem:$0x3FBA];
	_ =	sdelay $0x3  }
0x34: {  	[smem:$0x3FBA] =	sst s10  }
0x35: {  	s10 =	sld [smem:$0x3FB9];
	_ =	sdelay $0x3  }
0x36: {  	p1 =	seq.s32 s10, $0x1;
	s10 =	sld [smem:$0x3FBA];
	_ =	sdelay $0x3  }
0x37: {  	[smem:$0x3FBA] =	sst s10  }
0x38: {  	s10 =	sld [smem:$0x3FBB]  }
0x39: {  	_ = 	snop;
	(pc) =	sbr.ind lr, $3  }
0x3a: {  	_ = 	snop  }
0x3b: {  	_ = 	snop  }
0x3c: {  	p2 =	seq.s32 s10, $0x1;
	s10 =	sld [smem:$0x3FBA]  }
0x3d: {  	_ =	shalt  }
0x3e: {  	_ =	shalt  }
0x3f: {  	_ =	shalt  }
0x40: {  	_ =	shalt  }
0x41: {  	_ =	shalt  }
0x42: {  	_ =	shalt  }
0x43: {  	_ =	shalt  }
0x44: {  	_ =	shalt  }
0x45: {  	_ =	shalt  }
0x46: {  	_ =	shalt  }
0x47: {  	_ =	shalt  }
0x48: {  	_ =	shalt  }
0x49: {  	_ =	shalt  }
0x4a: {  	_ =	shalt  }
0x4b: {  	_ =	shalt  }
0x4c: {  	_ =	shalt  }
0x4d: {  	_ =	shalt  }
0x4e: {  	_ =	shalt  }
0x4f: {  	_ =	shalt  }
0x50: {  	_ =	shalt  }
0x51: {  	_ =	shalt  }
0x52: {  	_ =	shalt  }
0x53: {  	_ =	shalt  }
0x54: {  	_ =	shalt  }
0x55: {  	_ =	shalt  }
0x56: {  	_ =	shalt  }
0x57: {  	_ =	shalt  }
0x58: {  	_ =	shalt  }
0x59: {  	_ =	shalt  }
0x5a: {  	_ =	shalt  }
0x5b: {  	_ =	shalt  }
0x5c: {  	_ =	shalt  }
0x5d: {  	_ =	shalt  }
0x5e: {  	_ =	shalt  }
0x5f: {  	_ =	shalt  }
0x60: {  	_ =	shalt  }
0x61: {  	_ =	shalt  }
0x62: {  	_ =	shalt  }
0x63: {  	_ =	shalt  }
0x64: {  	_ =	shalt  }
0x65: {  	_ =	shalt  }
0x66: {  	_ =	shalt  }
0x67: {  	_ =	shalt  }
0x68: {  	_ =	shalt  }
0x69: {  	_ =	shalt  }
0x6a: {  	_ =	shalt  }
0x6b: {  	_ =	shalt  }
0x6c: {  	_ =	shalt  }
0x6d: {  	_ =	shalt  }
0x6e: {  	_ =	shalt  }
0x6f: {  	_ =	shalt  }
0x70: {  	_ =	shalt  }
0x71: {  	_ =	shalt  }
0x72: {  	_ =	shalt  }
0x73: {  	_ =	shalt  }
0x74: {  	_ =	shalt  }
0x75: {  	_ =	shalt  }
0x76: {  	_ =	shalt  }
0x77: {  	_ =	shalt  }
0x78: {  	_ =	shalt  }
0x79: {  	_ =	shalt  }
0x7a: {  	_ =	shalt  }
0x7b: {  	_ =	shalt  }
0x7c: {  	_ =	shalt  }
0x7d: {  	_ =	shalt  }
0x7e: {  	_ =	shalt  }
0x7f: {  	_ =	shalt  }
0x80: {  	_ =	shalt  }
0x81: {  	_ =	shalt  }
0x82: {  	_ =	shalt  }
0x83: {  	_ =	shalt  }
0x84: {  	_ =	shalt  }
0x85: {  	_ =	shalt  }
0x86: {  	_ =	shalt  }
0x87: {  	_ =	shalt  }
.Lfunc_end0:
.L_simem_size_0:
called_computation_lowered:
.L_overlay_start_0:
0x88: {  	s2 =	sld [smem:$0x3FD9]  }
0x89: {  	s3 =	sld [smem:$0x3FFE];
	_ =	sdelay $0x1  }
0x8a: {  	s1 =	srdreg.scid  }
0x8b: {  	s0 =	sand.u32 $0x1, s1  }
0x8c: {  	s17 =	sshll.u32 s0, $0xA;
	s2 =	sadd.s32 s3, s2  }
0x8d: {  	s2 =	sadd.s32 s2, s17  }
0x8e: {  	[smem:$0x3FC6] =	sst s2  }
0x8f: {  	_ = 	snop  }
0x90: {  	s2 =	sld [smem:$0x3FC9];
	(tm) =	ssettm $0x1  }
0x91: {  	s18 =	sld [smem:$0x3FFB];
	_ =	sdelay $0x3  }
0x92: {  	_ =	strace s18  }
0x93: {  	s3 =	sld [smem:$0x3FFC];
	_ =	sdelay $0x3  }
0x94: {  	_ =	strace s3  }
0x95: {  	s3 =	sld [smem:$0x3FFD];
	_ =	sdelay $0x3  }
0x96: {  	_ =	strace s3  }
0x97: {  	_ =	strace $0x8FFFFFFF  }
0x98: {  	s19 =	sld [smem:$0x3FDB];
	_ =	sdelay $0x1  }
0x99: {  	s4 =	simm.s32 $_scs_section_size  }
0x9a: {  	s5 =	simm.s32 $_size__tile_overlayer_lowered;
	s6 =	simm.s32 $_tile_overlayer_lowered  }
0x9b: {  	s22 =	simm.s32 $0x1BFF;
	s21 =	sshll.u32 s6, $0x1;
	s3 =	sadd.s32 s4, s19  }
0x9c: {  	s7 =	simm.s32 $0x0;
	s20 =	sshll.u32 s5, $0x1;
	s5 =	sadd.s32 s21, s3  }
0x9d: {  	[timem:s7], [sflag:s22] =	dma.local [hbm:s5], s20  }
0x9e: {  	_ =	swait.ge [sflag:s22], s20  }
0x9f: {  	s4 =	ssub.s32 $0x0, s20;
	[sflag:s22] =	ssyncset.done $0x0  }
0xa0: {  	[sflag:s22] =	ssyncadd.s32 s4;
	_ =	sdelay $0x1  }
0xa1: {  	s23 =	simm.s32 $0x1B8B  }
0xa2: {  	_ =	swait.ge [sflag:s23], $0x1  }
0xa3: {  	[sflag:s23] =	ssyncset.done $0x0  }
0xa4: {  	s25 =	simm.s32 $0x1B8E;
	s24 =	sld [smem:$0x3FFE];
	[sflag:s23] =	ssyncadd.s32 $0xFFFFFFFF  }
0xa5: {  	s26 =	simm.s32 $execute0_lowered;
	[smem:$0x3FD2] =	sst s25  }
0xa6: {  	s5 =	sshll.u32 s26, $0x1;
	_ =	strace $0x80000046;
	[dreg:$0x1] =	wrdreg $0xFFFFFFFF  }
0xa7: {  	s28 =	simm.s32 $_size_execute0_lowered;
	s3 =	sadd.s32 s3, s5;
	[dreg:$0x0] =	wrdreg $0x0  }
0xa8: {  	s5 =	sshll.u32 s28, $0x1;
	[dreg:$0x2] =	wrdreg s3  }
0xa9: {  	[dreg:$0x3] =	wrdreg s5  }
0xaa: {  	[dreg:$0x4] =	wrdreg $0xC0  }
0xab: {  	_ =	task [dreg:s7], $0x5FFFF  }
0xac: {  	[dreg:$0x1] =	wrdreg $0xFFFFFFFF  }
0xad: {  	[dreg:$0x0] =	wrdreg $0x60  }
0xae: {  	[dreg:$0x2] =	wrdreg s24  }
0xaf: {  	[dreg:$0x3] =	wrdreg s2  }
0xb0: {  	[dreg:$0x4] =	wrdreg $0x9  }
0xb1: {  	_ =	task.clear_ibuf [dreg:s7], $0x5FFFF;
	_ =	strace $0x90000046  }
0xb2: {  	s29 =	simm.s32 $0x9;
	_ =	strace $0x80000048  }
0xb3: {  	_ =	swait.ge [sflag:s29], $0x1  }
0xb4: {  	[sflag:s29] =	ssyncadd.s32 $0xFFFFFFFF  }
0xb5: {  	_ =	strace $0x90000048  }
0xb6: {  	_ =	sfence  }
0xb7: {  	s30 =	sld [smem:$0x0];
	_ =	sdelay $0x2  }
0xb8: {  	s31 =	sshll.u32 s1, $0xD;
	s1 =	sshrl.u32 s1, $0x2  }
0xb9: {  	s3 =	sand.u32 $0x4000, s31;
	s1 =	sadd.s32 s1, s30  }
0xba: {  	s0 =	sor.u32 s3, s0;
	s1 =	sshll.u32 s1, $0x11  }
0xbb: {  	s0 =	sor.u32 s1, s0  }
0xbc: {  	s0 =	sadd.s32 $0x8F2B, s0  }
0xbd: {  	[sflag:s0] =	ssyncadd.remote.s32 $0x1  }
0xbe: {  	_ =	sfence.sel $0xFFFF  }
0xbf: {  	[dreg:$0x0] =	wrdreg $0xFFFFFFFF;
	(pc) =	sbr.abs _section_cstart, $3  }
0xc0: {  	[dreg:$0x1] =	wrdreg $0xFFFFFFFF  }
0xc1: {  	_ =	task.clear_ibuf [dreg:s7], $0x2FFFF;
	_ =	strace $0x9FFFFFFF  }
0xc2: {  	(tm) =	ssettm $0x7FFFFFFF  }
0xc3: {  	_ =	shalt  }
tec
execute0_lowered:
.L_overlay_start_1:
0x0: {  	(tag) =	ssettag $0x1  }
0x1: {  	s5 =	rddreg [dreg:$0x0]  }
0x2: {  	s2 =	rddreg [dreg:$0x1]  }
0x3: {  	s0 =	rddreg [dreg:$0x2];
	s4 =	srdreg.scid  }
0x4: {  	s1 =	stileid.u32;
	s3 =	simm.s32 $0x0;
	s9 =	simm.s32 $0x1  }
0x5: {  	s10 =	simm.s32 $0x1C6A0;
	s11 =	simm.s32 $0x186A0;
	s12 =	simm.s32 $0x0  }
0x6: {  	s4 =	sand.u32 $0x1, s4;
	s6 =	sshll.u32 s1, $0x1;
	[smem:$0x7FF] =	sst s3  }
0x7: {  	s6 =	sor.u32 s4, s6;
	_ =	strace $0x80000047;
	s8 =	ssub.s32 $0x2, s4  }
0x8: {  	s4 =	sadd.s32 $0x400, s5;
	s7 =	sshll.u32 s6, $0xB;
	s31 =	sshrl.u32 s8, $0x1  }
0x9: {  	s7 =	sadd.s32 s7, s5;
	s8 =	ssub.s32 s8, s31;
	s5 =	smul.u32 $0x186A0, s6  }
0xa: {  	s6 =	sadd.s32 $0x400, s2;
	s7 =	sadd.s32 $0x9EB600, s7;
	s8 =	smax.u32 s8, $0x1  }
.LBB2_1:
0xb: {  	s13 =	simm.s32 $0x0  }
.LBB2_2:
0xc: {  	s14 =	smul.u32 $0x30D400, s13;
	_ =	sdelay $0x1  }
0xd: {  	s14 =	sadd.s32 s5, s14  }
0xe: {  	s14 =	sshrl.u32 s14, $0x3  }
0xf: {  	s15 =	simm.s32 $0x0;
	s14 =	sadd.s32 s4, s14  }
0x10: {  	[tilespmem:s15], [sflag:$0x1] =	stream.linear.gather [hbm4b:s14+s15], $0x186A0, $0x38;
	[tilespmem:$0x1E6A0] =	vst v63  }
0x11: {  	_ =	swait.ge [sflag:s9], $0x186A0  }
0x12: {  	s14 =	sshll.u32 s13, $0xB;
	[sflag:s9] =	ssyncset.done $0x0  }
0x13: {  	s16 =	sadd.s32 s2, s14;
	[sflag:s9] =	ssyncadd.s32 $0xFFFE7960  }
0x14: {  	[tilespmem:s10], [sflag:$0x1] =	stream.linear.gather [hbm4b:s16+s15], $0x2000, $0x38;
	[tilespmem:$0x1E6A0] =	vst v63  }
0x15: {  	_ =	swait.ge [sflag:s9], $0x2000  }
0x16: {  	[sflag:s9] =	ssyncset.done $0x0  }
0x17: {  	s15 =	simm.s32 $0x0;
	[sflag:s9] =	ssyncadd.s32 $0xFFFFE000  }
0x18: {  	v0 =	vld [tilespmem:s15+$0x1C6A0];
	_ =	sdelay $0x5  }
0x19: {  	v1 =	vld [tilespmem:s15+$0x1C6B0];
	_ =	sdelay $0x1  }
0x1a: {  	v0 =	vld.idx.msk [tilespmem:v0+s3+$0x0], $0xffff;
	_ =	sdelay $0x4  }
0x1b: {  	[tilespmem:s15+$0x186A0] =	vst v0;
	v0 =	vld [tilespmem:s15+$0x1C6C0]  }
0x1c: {  	v1 =	vld.idx.msk [tilespmem:v1+s3+$0x0], $0xffff;
	_ =	sdelay $0x4  }
0x1d: {  	[tilespmem:s15+$0x186B0] =	vst v1;
	v1 =	vld [tilespmem:s15+$0x1C6D0];
	_ =	sdelay $0x1  }
0x1e: {  	v0 =	vld.idx.msk [tilespmem:v0+s3+$0x0], $0xffff;
	_ =	sdelay $0x4  }
0x1f: {  	[tilespmem:s15+$0x186C0] =	vst v0;
	v0 =	vld [tilespmem:s15+$0x1C6E0]  }
0x20: {  	v1 =	vld.idx.msk [tilespmem:v1+s3+$0x0], $0xffff;
	_ =	sdelay $0x4  }
0x21: {  	[tilespmem:s15+$0x186D0] =	vst v1;
	v1 =	vld [tilespmem:s15+$0x1C6F0];
	_ =	sdelay $0x1  }
0x22: {  	v0 =	vld.idx.msk [tilespmem:v0+s3+$0x0], $0xffff;
	_ =	sdelay $0x4  }
0x23: {  	v2 =	vld [tilespmem:s15+$0x1C700];
	[tilespmem:s15+$0x186E0] =	vst v0  }
0x24: {  	v0 =	vld.idx.msk [tilespmem:v1+s3+$0x0], $0xffff;
	_ =	sdelay $0x4  }
0x25: {  	[tilespmem:s15+$0x186F0] =	vst v0;
	v0 =	vld [tilespmem:s15+$0x1C710];
	_ =	sdelay $0x1  }
0x26: {  	v1 =	vld.idx.msk [tilespmem:v2+s3+$0x0], $0xffff;
	_ =	sdelay $0x3  }
0x27: {  	s17 =	simm.s32 $0x80;
	s16 =	simm.s32 $0x400  }
.LBB2_3:
0x28: {  	p0 =	sne.s32 s16, $0x7E00;
	v2 =	vld [tilespmem:s17+$0x1C6A0];
	[tilespmem:s15+$0x18700] =	vst v1  }
0x29: {  	v0 =	vld.idx.msk [tilespmem:v0+s3+$0x0], $0xffff;
	_ =	sdelay $0x5  }
0x2a: {  	v1 =	vld [tilespmem:s17+$0x1C6B0];
	[tilespmem:s15+$0x18710] =	vst v0;
	s15 =	smov.u32 s17  }
0x2b: {  	v0 =	vld.idx.msk [tilespmem:v2+s3+$0x0], $0xffff;
	_ =	sdelay $0x5  }
0x2c: {  	[tilespmem:s15+$0x186A0] =	vst v0;
	v0 =	vld [tilespmem:s15+$0x1C6C0]  }
0x2d: {  	v1 =	vld.idx.msk [tilespmem:v1+s3+$0x0], $0xffff;
	_ =	sdelay $0x5  }
0x2e: {  	[tilespmem:s15+$0x186B0] =	vst v1;
	v1 =	vld [tilespmem:s15+$0x1C6D0]  }
0x2f: {  	v0 =	vld.idx.msk [tilespmem:v0+s3+$0x0], $0xffff;
	_ =	sdelay $0x5  }
0x30: {  	[tilespmem:s15+$0x186C0] =	vst v0;
	v0 =	vld [tilespmem:s15+$0x1C6E0]  }
0x31: {  	v1 =	vld.idx.msk [tilespmem:v1+s3+$0x0], $0xffff;
	_ =	sdelay $0x5  }
0x32: {  	[tilespmem:s15+$0x186D0] =	vst v1;
	v1 =	vld [tilespmem:s15+$0x1C6F0]  }
0x33: {  	v0 =	vld.idx.msk [tilespmem:v0+s3+$0x0], $0xffff;
	_ =	sdelay $0x5  }
0x34: {  	[tilespmem:s15+$0x186E0] =	vst v0;
	v2 =	vld [tilespmem:s15+$0x1C700]  }
0x35: {  	v0 =	vld.idx.msk [tilespmem:v1+s3+$0x0], $0xffff;
	_ =	sdelay $0x5  }
0x36: {  	[tilespmem:s15+$0x186F0] =	vst v0;
	v0 =	vld [tilespmem:s15+$0x1C710]  }
0x37: {  	v1 =	vld.idx.msk [tilespmem:v2+s3+$0x0], $0xffff  }
.Ltmp0:
0x38: {  	(pc) =	sbr.rel @p0 .LBB2_3-.Ltmp0, $2  }
0x39: {  	_ =	sdelay $0x2  }
0x3a: {  	s17 =	sshra.s32 s16, $0x2;
	s16 =	sadd.s32 $0x200, s16  }
0x3b: {  	_ =	sdelay $0x1  }
0x3c: {  	v2 =	vld [tilespmem:s17+$0x1C6A0]  }
0x3d: {  	[tilespmem:s15+$0x18700] =	vst v1  }
0x3e: {  	v0 =	vld.idx.msk [tilespmem:v0+s3+$0x0], $0xffff;
	_ =	sdelay $0x3  }
0x3f: {  	v1 =	vld [tilespmem:s17+$0x1C6B0]  }
0x40: {  	[tilespmem:s15+$0x18710] =	vst v0  }
0x41: {  	v0 =	vld.idx.msk [tilespmem:v2+s3+$0x0], $0xffff;
	_ =	sdelay $0x4  }
0x42: {  	[tilespmem:s17+$0x186A0] =	vst v0;
	v0 =	vld [tilespmem:s17+$0x1C6C0]  }
0x43: {  	v1 =	vld.idx.msk [tilespmem:v1+s3+$0x0], $0xffff;
	_ =	sdelay $0x4  }
0x44: {  	[tilespmem:s17+$0x186B0] =	vst v1;
	v1 =	vld [tilespmem:s17+$0x1C6D0];
	_ =	sdelay $0x1  }
0x45: {  	v0 =	vld.idx.msk [tilespmem:v0+s3+$0x0], $0xffff;
	_ =	sdelay $0x4  }
0x46: {  	[tilespmem:s17+$0x186C0] =	vst v0;
	v0 =	vld [tilespmem:s17+$0x1C6E0]  }
0x47: {  	v1 =	vld.idx.msk [tilespmem:v1+s3+$0x0], $0xffff;
	_ =	sdelay $0x4  }
0x48: {  	[tilespmem:s17+$0x186D0] =	vst v1;
	v1 =	vld [tilespmem:s17+$0x1C6F0];
	_ =	sdelay $0x1  }
0x49: {  	v0 =	vld.idx.msk [tilespmem:v0+s3+$0x0], $0xffff;
	_ =	sdelay $0x4  }
0x4a: {  	[tilespmem:s17+$0x186E0] =	vst v0;
	v0 =	vld [tilespmem:s17+$0x1C700]  }
0x4b: {  	v1 =	vld.idx.msk [tilespmem:v1+s3+$0x0], $0xffff;
	_ =	sdelay $0x4  }
0x4c: {  	[tilespmem:s17+$0x186F0] =	vst v1;
	v1 =	vld [tilespmem:s17+$0x1C710];
	_ =	sdelay $0x1  }
0x4d: {  	v0 =	vld.idx.msk [tilespmem:v0+s3+$0x0], $0xffff;
	_ =	sdelay $0x4  }
0x4e: {  	[tilespmem:s17+$0x18700] =	vst v0  }
0x4f: {  	v0 =	vld.idx.msk [tilespmem:v1+s3+$0x0], $0xffff;
	_ =	sdelay $0x4  }
0x50: {  	s14 =	sadd.s32 s14, s6;
	s31 =	simm.s32 $0x0;
	[tilespmem:s17+$0x18710] =	vst v0  }
0x51: {  	[tilespmem:s10], [sflag:$0x1] =	stream.linear.gather [hbm4b:s14+s31], $0x2000, $0x38;
	[tilespmem:$0x1E6A0] =	vst v63  }
0x52: {  	_ =	swait.ge [sflag:s9], $0x2000  }
0x53: {  	[sflag:s9] =	ssyncset.done $0x0  }
0x54: {  	s14 =	simm.s32 $0x0;
	[sflag:s9] =	ssyncadd.s32 $0xFFFFE000  }
0x55: {  	v0 =	vld [tilespmem:s14+$0x1C6A0];
	_ =	sdelay $0x5  }
0x56: {  	v1 =	vld [tilespmem:s14+$0x1C6B0];
	_ =	sdelay $0x1  }
0x57: {  	v0 =	vld.idx.msk [tilespmem:v0+s3+$0x0], $0xffff;
	_ =	sdelay $0x4  }
0x58: {  	[tilespmem:s14+$0x1A6A0] =	vst v0;
	v0 =	vld [tilespmem:s14+$0x1C6C0]  }
0x59: {  	v1 =	vld.idx.msk [tilespmem:v1+s3+$0x0], $0xffff;
	_ =	sdelay $0x4  }
0x5a: {  	[tilespmem:s14+$0x1A6B0] =	vst v1;
	v1 =	vld [tilespmem:s14+$0x1C6D0];
	_ =	sdelay $0x1  }
0x5b: {  	v0 =	vld.idx.msk [tilespmem:v0+s3+$0x0], $0xffff;
	_ =	sdelay $0x4  }
0x5c: {  	[tilespmem:s14+$0x1A6C0] =	vst v0;
	v0 =	vld [tilespmem:s14+$0x1C6E0]  }
0x5d: {  	v1 =	vld.idx.msk [tilespmem:v1+s3+$0x0], $0xffff;
	_ =	sdelay $0x4  }
0x5e: {  	[tilespmem:s14+$0x1A6D0] =	vst v1;
	v1 =	vld [tilespmem:s14+$0x1C6F0];
	_ =	sdelay $0x1  }
0x5f: {  	v0 =	vld.idx.msk [tilespmem:v0+s3+$0x0], $0xffff;
	_ =	sdelay $0x4  }
0x60: {  	v2 =	vld [tilespmem:s14+$0x1C700];
	[tilespmem:s14+$0x1A6E0] =	vst v0  }
0x61: {  	v0 =	vld.idx.msk [tilespmem:v1+s3+$0x0], $0xffff;
	_ =	sdelay $0x4  }
0x62: {  	[tilespmem:s14+$0x1A6F0] =	vst v0;
	v0 =	vld [tilespmem:s14+$0x1C710];
	_ =	sdelay $0x1  }
0x63: {  	v1 =	vld.idx.msk [tilespmem:v2+s3+$0x0], $0xffff;
	_ =	sdelay $0x3  }
0x64: {  	s16 =	simm.s32 $0x80;
	s15 =	simm.s32 $0x400  }
.LBB2_5:
0x65: {  	p0 =	sne.s32 s15, $0x7E00;
	v2 =	vld [tilespmem:s16+$0x1C6A0];
	[tilespmem:s14+$0x1A700] =	vst v1  }
0x66: {  	v0 =	vld.idx.msk [tilespmem:v0+s3+$0x0], $0xffff;
	_ =	sdelay $0x5  }
0x67: {  	v1 =	vld [tilespmem:s16+$0x1C6B0];
	[tilespmem:s14+$0x1A710] =	vst v0;
	s14 =	smov.u32 s16  }
0x68: {  	v0 =	vld.idx.msk [tilespmem:v2+s3+$0x0], $0xffff;
	_ =	sdelay $0x5  }
0x69: {  	[tilespmem:s14+$0x1A6A0] =	vst v0;
	v0 =	vld [tilespmem:s14+$0x1C6C0]  }
0x6a: {  	v1 =	vld.idx.msk [tilespmem:v1+s3+$0x0], $0xffff;
	_ =	sdelay $0x5  }
0x6b: {  	[tilespmem:s14+$0x1A6B0] =	vst v1;
	v1 =	vld [tilespmem:s14+$0x1C6D0]  }
0x6c: {  	v0 =	vld.idx.msk [tilespmem:v0+s3+$0x0], $0xffff;
	_ =	sdelay $0x5  }
0x6d: {  	[tilespmem:s14+$0x1A6C0] =	vst v0;
	v0 =	vld [tilespmem:s14+$0x1C6E0]  }
0x6e: {  	v1 =	vld.idx.msk [tilespmem:v1+s3+$0x0], $0xffff;
	_ =	sdelay $0x5  }
0x6f: {  	[tilespmem:s14+$0x1A6D0] =	vst v1;
	v1 =	vld [tilespmem:s14+$0x1C6F0]  }
0x70: {  	v0 =	vld.idx.msk [tilespmem:v0+s3+$0x0], $0xffff;
	_ =	sdelay $0x5  }
0x71: {  	[tilespmem:s14+$0x1A6E0] =	vst v0;
	v2 =	vld [tilespmem:s14+$0x1C700]  }
0x72: {  	v0 =	vld.idx.msk [tilespmem:v1+s3+$0x0], $0xffff;
	_ =	sdelay $0x5  }
0x73: {  	[tilespmem:s14+$0x1A6F0] =	vst v0;
	v0 =	vld [tilespmem:s14+$0x1C710]  }
0x74: {  	v1 =	vld.idx.msk [tilespmem:v2+s3+$0x0], $0xffff  }
.Ltmp1:
0x75: {  	(pc) =	sbr.rel @p0 .LBB2_5-.Ltmp1, $2  }
0x76: {  	_ =	sdelay $0x2  }
0x77: {  	s16 =	sshra.s32 s15, $0x2;
	s15 =	sadd.s32 $0x200, s15  }
0x78: {  	_ =	sdelay $0x1  }
0x79: {  	v2 =	vld [tilespmem:s16+$0x1C6A0]  }
0x7a: {  	[tilespmem:s14+$0x1A700] =	vst v1  }
0x7b: {  	v0 =	vld.idx.msk [tilespmem:v0+s3+$0x0], $0xffff;
	_ =	sdelay $0x3  }
0x7c: {  	v1 =	vld [tilespmem:s16+$0x1C6B0]  }
0x7d: {  	[tilespmem:s14+$0x1A710] =	vst v0  }
0x7e: {  	v0 =	vld.idx.msk [tilespmem:v2+s3+$0x0], $0xffff;
	_ =	sdelay $0x3  }
0x7f: {  	v58 =	vld [tilespmem:s16+$0x1C6C0]  }
0x80: {  	[tilespmem:s16+$0x1A6A0] =	vst v0  }
0x81: {  	v1 =	vld.idx.msk [tilespmem:v1+s3+$0x0], $0xffff;
	_ =	sdelay $0x3  }
0x82: {  	v59 =	vld [tilespmem:s16+$0x1C6D0]  }
0x83: {  	[tilespmem:s16+$0x1A6B0] =	vst v1  }
0x84: {  	v0 =	vld.idx.msk [tilespmem:v58+s3+$0x0], $0xffff;
	_ =	sdelay $0x3  }
0x85: {  	v60 =	vld [tilespmem:s16+$0x1C6E0]  }
0x86: {  	[tilespmem:s16+$0x1A6C0] =	vst v0  }
0x87: {  	v1 =	vld.idx.msk [tilespmem:v59+s3+$0x0], $0xffff;
	_ =	sdelay $0x3  }
0x88: {  	v61 =	vld [tilespmem:s16+$0x1C6F0]  }
0x89: {  	[tilespmem:s16+$0x1A6D0] =	vst v1  }
0x8a: {  	v0 =	vld.idx.msk [tilespmem:v60+s3+$0x0], $0xffff;
	_ =	sdelay $0x3  }
0x8b: {  	v62 =	vld [tilespmem:s16+$0x1C700]  }
0x8c: {  	[tilespmem:s16+$0x1A6E0] =	vst v0  }
0x8d: {  	v1 =	vld.idx.msk [tilespmem:v61+s3+$0x0], $0xffff;
	_ =	sdelay $0x3  }
0x8e: {  	v63 =	vld [tilespmem:s16+$0x1C710]  }
0x8f: {  	[tilespmem:s16+$0x1A6F0] =	vst v1  }
0x90: {  	v0 =	vld.idx.msk [tilespmem:v62+s3+$0x0], $0xffff;
	_ =	sdelay $0x4  }
0x91: {  	[tilespmem:s16+$0x1A700] =	vst v0  }
0x92: {  	v0 =	vld.idx.msk [tilespmem:v63+s3+$0x0], $0xffff;
	_ =	sdelay $0x2  }
0x93: {  	s31 =	sshll.u32 s13, $0x10;
	s13 =	sadd.s32 $0x1, s13  }
0x94: {  	p0 =	sne.s32 s13, $0x1A  }
.Ltmp2:
0x95: {  	s14 =	sadd.s32 s31, s7;
	[tilespmem:s16+$0x1A710] =	vst v0;
	(pc) =	sbr.rel @p0 .LBB2_2-.Ltmp2, $4  }
0x96: {  	[hbm4b:s14+s3] =	stream.linear.scatter [tilespmem:s11], [sflag:$0x1], $0x4000, $0x38;
	[tilespmem:$0x1E6A0] =	vst v63  }
0x97: {  	_ =	swait.ge [sflag:s9], $0x4000  }
0x98: {  	[sflag:s9] =	ssyncset.done $0x0  }
0x99: {  	[sflag:s9] =	ssyncadd.s32 $0xFFFFC000  }
0x9a: {  	s12 =	sadd.s32 $0x1, s12  }
0x9b: {  	p0 =	sne.s32 s12, s8  }
.Ltmp3:
0x9c: {  	_ = 	snop;
	(pc) =	sbr.rel @p0 .LBB2_1-.Ltmp3, $1  }
0x9d: {  	_ =	sdelay $0x3  }
0x9e: {  	_ =	sfence.sel $0x180000  }
0x9f: {  	[bflag:$0x0] =	sbarrier.arrive $0xFFFF  }
0xa0: {  	p0 =	sne.s32 s1, $0x0;
	_ =	strace $0x90000047  }
0xa1: {  	s0 =	sadd.s32 @!p0 $0x100000, s0;
	[bflag:$0x2] =	sbarrier.arrive $0xFFFF  }
0xa2: {  	[sflag:s0] =	ssyncadd.tile.s32 @!p0 $0x1;
	_ =	shalt  }
.Lfunc_end2:
_tile_overlayer_lowered:
.L_overlay_start_2:
0xa3: {  	(tag) =	ssettag $0x2  }
0xa4: {  	s0 =	rddreg [dreg:$0x0];
	s2 =	stileid.u32  }
0xa5: {  	s1 =	rddreg [dreg:$0x1];
	p0 =	sne.s32 s2, $0x0  }
0xa6: {  	s3 =	rddreg [dreg:$0x2];
	[bflag:$0x3] =	sbarrier.arrive $0xFFFF;
	s2 =	simm.s32 @!p0 $0x1C01  }
0xa7: {  	[timem:s3], [sflag:s2] =	dma.local @!p0 [hbm:s0], s1  }
0xa8: {  	s0 =	simm.s32 @!p0 $0x1  }
0xa9: {  	_ =	swait.ge @!p0 [sflag:s0], s1  }
0xaa: {  	s1 =	ssub.s32 @!p0 $0x0, s1;
	[sflag:s0] =	ssyncset.done @!p0 $0x0  }
0xab: {  	[sflag:s0] =	ssyncadd.s32 @!p0 s1  }
0xac: {  	[bflag:$0x3] =	sbarrier.arrive $0xFFFF  }
0xad: {  	_ =	shalt  }

</sc_bundles>
